<compile_context>
chip_gen: v7x
topology: tpu7x:2x2x1
jax: 0.10.2.dev20260603
libtpu: 0.0.44.dev20260713+nightly
codegen_flags: <defaults>
</compile_context>

<pallas_src>
import jax
import jax.numpy as jnp
from jax import lax
from jax.experimental import pallas as pl
from jax.experimental.pallas import tpu as pltpu

NN = 4096
D = 512
KTOP = 64
ALPHA_C = 3.0
RBLK = 256
PREC = lax.Precision.DEFAULT


def _nv_kernel(e1_ref, e2_ref, w1_ref, b1_ref, w2_ref, b2_ref,
               nv1_ref, nv2_ref):
    dn = (((1,), (1,)), ((), ()))
    x1 = lax.dot_general(e1_ref[...], w1_ref[...], dn,
                         precision=PREC, preferred_element_type=jnp.float32)
    nv1_ref[...] = jnp.tanh(ALPHA_C * (x1 + b1_ref[...]))
    x2 = lax.dot_general(e2_ref[...], w2_ref[...], dn,
                         precision=PREC, preferred_element_type=jnp.float32)
    nv2_ref[...] = jnp.tanh(ALPHA_C * (x2 + b2_ref[...]))


def _adj_kernel(nv1_ref, nv2_ref, noise_ref, out_ref):
    i = pl.program_id(0)
    dn = (((1,), (1,)), ((), ()))
    nv1b = nv1_ref[pl.ds(i * RBLK, RBLK), :]
    nv2b = nv2_ref[pl.ds(i * RBLK, RBLK), :]
    m1 = lax.dot_general(nv1b, nv2_ref[...], dn,
                         precision=PREC, preferred_element_type=jnp.float32)
    m2 = lax.dot_general(nv2b, nv1_ref[...], dn,
                         precision=PREC, preferred_element_type=jnp.float32)
    a = m1 - m2
    adj = jnp.maximum(jnp.tanh(ALPHA_C * a), 0.0)
    scores = adj + noise_ref[...] * 0.01
    bits = lax.bitcast_convert_type(scores, jnp.int32)

    def body(it, t):
        cand = t | (jnp.int32(1) << (jnp.int32(30) - it))
        cnt = jnp.sum((bits >= cand).astype(jnp.int32), axis=1, keepdims=True)
        return jnp.where(cnt >= KTOP, cand, t)

    thr = lax.fori_loop(0, 31, body, jnp.zeros((RBLK, 1), jnp.int32))
    gt = bits > thr
    cnt_gt = jnp.sum(gt.astype(jnp.int32), axis=1, keepdims=True)
    need = KTOP - cnt_gt
    eq = bits == thr
    colv = lax.broadcasted_iota(jnp.int32, (RBLK, NN), 1)

    def body2(it, jmax):
        cand = jmax | (jnp.int32(1) << (jnp.int32(12) - it))
        cnt = jnp.sum((eq & (colv < cand)).astype(jnp.int32),
                      axis=1, keepdims=True)
        return jnp.where(cnt <= need, cand, jmax)

    jmax = lax.fori_loop(0, 13, body2, jnp.zeros((RBLK, 1), jnp.int32))
    sel = gt | (eq & (colv < jmax))
    out_ref[...] = jnp.where(sel, adj, 0.0)


def _build(interpret=False):
    nv_call = pl.pallas_call(
        _nv_kernel,
        grid=(1,),
        in_specs=[
            pl.BlockSpec((NN, D), lambda i: (0, 0)),
            pl.BlockSpec((NN, D), lambda i: (0, 0)),
            pl.BlockSpec((D, D), lambda i: (0, 0)),
            pl.BlockSpec((1, D), lambda i: (0, 0)),
            pl.BlockSpec((D, D), lambda i: (0, 0)),
            pl.BlockSpec((1, D), lambda i: (0, 0)),
        ],
        out_specs=[
            pl.BlockSpec((NN, D), lambda i: (0, 0)),
            pl.BlockSpec((NN, D), lambda i: (0, 0)),
        ],
        out_shape=[
            jax.ShapeDtypeStruct((NN, D), jnp.float32),
            jax.ShapeDtypeStruct((NN, D), jnp.float32),
        ],
        interpret=interpret,
    )
    adj_call = pl.pallas_call(
        _adj_kernel,
        grid=(NN // RBLK,),
        in_specs=[
            pl.BlockSpec((NN, D), lambda i: (0, 0)),
            pl.BlockSpec((NN, D), lambda i: (0, 0)),
            pl.BlockSpec((RBLK, NN), lambda i: (i, 0)),
        ],
        out_specs=pl.BlockSpec((RBLK, NN), lambda i: (i, 0)),
        out_shape=jax.ShapeDtypeStruct((NN, NN), jnp.float32),
        interpret=interpret,
    )
    return nv_call, adj_call


_NV_CALL, _ADJ_CALL = _build()


def kernel(idx, noise, emb1, emb2, W1, b1, W2, b2):
    e1 = jnp.take(emb1, idx, axis=0)
    e2 = jnp.take(emb2, idx, axis=0)
    nv1, nv2 = _NV_CALL(e1, e2, W1, b1.reshape(1, D), W2, b2.reshape(1, D))
    return _ADJ_CALL(nv1, nv2, noise)

# --- scband reference (transcript-rebuilt; emitter-appended) ---
"""Pipeline reference for scband-graph-cons-60455959658958 (READ-ONLY COPY).

The authoritative reference and input builder live on the scoring server;
editing this copy changes nothing except your own understanding.
"""

import jax, jax.numpy as jnp
import numpy as np

NNODES = 4096
DIM = 512
K = 64
ALPHA = 3.0


def setup_inputs(seed: int = 0) -> dict:
    key = jax.random.key(seed)
    ks = jax.random.split(key, 8)
    idx = jnp.arange(NNODES, dtype=jnp.int32)
    noise = jax.random.uniform(ks[0], (NNODES, NNODES), dtype=jnp.float32)
    emb1 = jax.random.normal(ks[1], (NNODES, DIM), dtype=jnp.float32)
    emb2 = jax.random.normal(ks[2], (NNODES, DIM), dtype=jnp.float32)
    s = 1.0 / np.sqrt(DIM)
    W1 = jax.random.uniform(ks[3], (DIM, DIM), dtype=jnp.float32, minval=-s, maxval=s)
    b1 = jax.random.uniform(ks[4], (DIM,), dtype=jnp.float32, minval=-s, maxval=s)
    W2 = jax.random.uniform(ks[5], (DIM, DIM), dtype=jnp.float32, minval=-s, maxval=s)
    b2 = jax.random.uniform(ks[6], (DIM,), dtype=jnp.float32, minval=-s, maxval=s)
    return {"idx": idx, "noise": noise, "emb1": emb1, "emb2": emb2,
            "W1": W1, "b1": b1, "W2": W2, "b2": b2}


def reference(idx, noise, emb1, emb2, W1, b1, W2, b2):
    nodevec1 = jnp.take(emb1, idx, axis=0)
    nodevec2 = jnp.take(emb2, idx, axis=0)
    nodevec1 = jnp.tanh(ALPHA * (nodevec1 @ W1.T + b1))
    nodevec2 = jnp.tanh(ALPHA * (nodevec2 @ W2.T + b2))
    a = nodevec1 @ nodevec2.T - nodevec2 @ nodevec1.T
    adj = jax.nn.relu(jnp.tanh(ALPHA * a))
    scores = adj + noise * 0.01
    _, t1 = jax.lax.top_k(scores, K)
    n = idx.shape[0]
    rows = jnp.arange(n)[:, None]
    mask = jnp.zeros((n, n), dtype=adj.dtype).at[rows, t1].set(1.0)
    return adj * mask

if __name__ == "__main__":
    import jax
    _d = setup_inputs()
    print(jax.jit(kernel)(*tuple(_d.values())))

</pallas_src>

<mosaic_0001>
module attributes {stable_mosaic.version = 14 : i64} {
  func.func @_nv_kernel(%arg0: i32, %arg1: memref<4096x512xf32, #tpu.memory_space<vmem>>, %arg2: memref<4096x512xf32, #tpu.memory_space<vmem>>, %arg3: memref<512x512xf32, #tpu.memory_space<vmem>>, %arg4: memref<1x512xf32, #tpu.memory_space<vmem>>, %arg5: memref<512x512xf32, #tpu.memory_space<vmem>>, %arg6: memref<1x512xf32, #tpu.memory_space<vmem>>, %arg7: memref<4096x512xf32, #tpu.memory_space<vmem>>, %arg8: memref<4096x512xf32, #tpu.memory_space<vmem>>) attributes {dimension_semantics = [#tpu.dimension_semantics<arbitrary>], iteration_bounds = array<i64: 1>, scalar_prefetch = 0 : i64, scratch_operands = 0 : i64, tpu.core_type = #tpu.core_type<tc>, window_params = [{pipeline_mode = #tpu.pipeline_mode<synchronous>, transform_indices = @transform_0, window_bounds = array<i64: 4096, 512>}, {pipeline_mode = #tpu.pipeline_mode<synchronous>, transform_indices = @transform_1, window_bounds = array<i64: 4096, 512>}, {pipeline_mode = #tpu.pipeline_mode<synchronous>, transform_indices = @transform_2, window_bounds = array<i64: 512, 512>}, {pipeline_mode = #tpu.pipeline_mode<synchronous>, transform_indices = @transform_3, window_bounds = array<i64: 1, 512>}, {pipeline_mode = #tpu.pipeline_mode<synchronous>, transform_indices = @transform_4, window_bounds = array<i64: 512, 512>}, {pipeline_mode = #tpu.pipeline_mode<synchronous>, transform_indices = @transform_5, window_bounds = array<i64: 1, 512>}, {pipeline_mode = #tpu.pipeline_mode<synchronous>, transform_indices = @transform_6, window_bounds = array<i64: 4096, 512>}, {pipeline_mode = #tpu.pipeline_mode<synchronous>, transform_indices = @transform_7, window_bounds = array<i64: 4096, 512>}]} {
    %get3A = arith.constant 0 : index
    %get3A_0 = arith.constant 0 : index
    %get3A_1 = vector.load %arg1[%get3A, %get3A_0] : memref<4096x512xf32, #tpu.memory_space<vmem>>, vector<4096x512xf32>
    %get3A_2 = arith.constant 0 : index
    %get3A_3 = arith.constant 0 : index
    %get3A_4 = vector.load %arg3[%get3A_2, %get3A_3] : memref<512x512xf32, #tpu.memory_space<vmem>>, vector<512x512xf32>
    %dot_general3A = arith.constant dense<0.000000e+00> : vector<4096x512xf32>
    %dot_general3A_5 = tpu.matmul %get3A_1, %get3A_4, %dot_general3A {dimension_numbers = #tpu.dot_dimension_numbers<[1], [1], [0], [0], [0, 0, 1, 0], [], []>, transpose_lhs_hint = false} : vector<4096x512xf32>, vector<512x512xf32>, vector<4096x512xf32> -> vector<4096x512xf32>
    %get3A_6 = arith.constant 0 : index
    %get3A_7 = arith.constant 0 : index
    %get3A_8 = vector.load %arg4[%get3A_6, %get3A_7] : memref<1x512xf32, #tpu.memory_space<vmem>>, vector<1x512xf32>
    %add3A = vector.broadcast %get3A_8 : vector<1x512xf32> to vector<4096x512xf32>
    %add3A_9 = arith.addf %dot_general3A_5, %add3A : vector<4096x512xf32>
    %mul3A = arith.constant 3.000000e+00 : f32
    %mul3A_10 = vector.broadcast %mul3A : f32 to vector<4096x512xf32>
    %mul3A_11 = arith.mulf %mul3A_10, %add3A_9 : vector<4096x512xf32>
    %tanh3A = math.tanh %mul3A_11 : vector<4096x512xf32>
    %swap3A = arith.constant 0 : index
    %swap3A_12 = arith.constant 0 : index
    %swap3A_13 = vector.load %arg7[%swap3A, %swap3A_12] : memref<4096x512xf32, #tpu.memory_space<vmem>>, vector<4096x512xf32>
    tpu.vector_store %arg7[%swap3A, %swap3A_12], %tanh3A {strides = array<i32>} : memref<4096x512xf32, #tpu.memory_space<vmem>>, vector<4096x512xf32>,
    %get3A_14 = arith.constant 0 : index
    %get3A_15 = arith.constant 0 : index
    %get3A_16 = vector.load %arg2[%get3A_14, %get3A_15] : memref<4096x512xf32, #tpu.memory_space<vmem>>, vector<4096x512xf32>
    %get3A_17 = arith.constant 0 : index
    %get3A_18 = arith.constant 0 : index
    %get3A_19 = vector.load %arg5[%get3A_17, %get3A_18] : memref<512x512xf32, #tpu.memory_space<vmem>>, vector<512x512xf32>
    %dot_general3A_20 = arith.constant dense<0.000000e+00> : vector<4096x512xf32>
    %dot_general3A_21 = tpu.matmul %get3A_16, %get3A_19, %dot_general3A_20 {dimension_numbers = #tpu.dot_dimension_numbers<[1], [1], [0], [0], [0, 0, 1, 0], [], []>, transpose_lhs_hint = false} : vector<4096x512xf32>, vector<512x512xf32>, vector<4096x512xf32> -> vector<4096x512xf32>
    %get3A_22 = arith.constant 0 : index
    %get3A_23 = arith.constant 0 : index
    %get3A_24 = vector.load %arg6[%get3A_22, %get3A_23] : memref<1x512xf32, #tpu.memory_space<vmem>>, vector<1x512xf32>
    %add3A_25 = vector.broadcast %get3A_24 : vector<1x512xf32> to vector<4096x512xf32>
    %add3A_26 = arith.addf %dot_general3A_21, %add3A_25 : vector<4096x512xf32>
    %mul3A_27 = arith.constant 3.000000e+00 : f32
    %mul3A_28 = vector.broadcast %mul3A_27 : f32 to vector<4096x512xf32>
    %mul3A_29 = arith.mulf %mul3A_28, %add3A_26 : vector<4096x512xf32>
    %tanh3A_30 = math.tanh %mul3A_29 : vector<4096x512xf32>
    %swap3A_31 = arith.constant 0 : index
    %swap3A_32 = arith.constant 0 : index
    %swap3A_33 = vector.load %arg8[%swap3A_31, %swap3A_32] : memref<4096x512xf32, #tpu.memory_space<vmem>>, vector<4096x512xf32>
    tpu.vector_store %arg8[%swap3A_31, %swap3A_32], %tanh3A_30 {strides = array<i32>} : memref<4096x512xf32, #tpu.memory_space<vmem>>, vector<4096x512xf32>,
    return
  }
  func.func @transform_0(%arg0: i32) -> (i32, i32) {
    %c0_i32 = arith.constant 0 : i32
    %c0_i32_0 = arith.constant 0 : i32
    %c0_i32_1 = arith.constant 0 : i32
    return %c0_i32, %c0_i32_0 : i32, i32
  }
  func.func @transform_1(%arg0: i32) -> (i32, i32) {
    %c0_i32 = arith.constant 0 : i32
    %c0_i32_0 = arith.constant 0 : i32
    %c0_i32_1 = arith.constant 0 : i32
    return %c0_i32, %c0_i32_0 : i32, i32
  }
  func.func @transform_2(%arg0: i32) -> (i32, i32) {
    %c0_i32 = arith.constant 0 : i32
    %c0_i32_0 = arith.constant 0 : i32
    %c0_i32_1 = arith.constant 0 : i32
    return %c0_i32, %c0_i32_0 : i32, i32
  }
  func.func @transform_3(%arg0: i32) -> (i32, i32) {
    %c0_i32 = arith.constant 0 : i32
    %c0_i32_0 = arith.constant 0 : i32
    %c0_i32_1 = arith.constant 0 : i32
    return %c0_i32, %c0_i32_0 : i32, i32
  }
  func.func @transform_4(%arg0: i32) -> (i32, i32) {
    %c0_i32 = arith.constant 0 : i32
    %c0_i32_0 = arith.constant 0 : i32
    %c0_i32_1 = arith.constant 0 : i32
    return %c0_i32, %c0_i32_0 : i32, i32
  }
  func.func @transform_5(%arg0: i32) -> (i32, i32) {
    %c0_i32 = arith.constant 0 : i32
    %c0_i32_0 = arith.constant 0 : i32
    %c0_i32_1 = arith.constant 0 : i32
    return %c0_i32, %c0_i32_0 : i32, i32
  }
  func.func @transform_6(%arg0: i32) -> (i32, i32) {
    %c0_i32 = arith.constant 0 : i32
    %c0_i32_0 = arith.constant 0 : i32
    %c0_i32_1 = arith.constant 0 : i32
    return %c0_i32, %c0_i32_0 : i32, i32
  }
  func.func @transform_7(%arg0: i32) -> (i32, i32) {
    %c0_i32 = arith.constant 0 : i32
    %c0_i32_0 = arith.constant 0 : i32
    %c0_i32_1 = arith.constant 0 : i32
    return %c0_i32, %c0_i32_0 : i32, i32
  }
}

module attributes {stable_mosaic.version = 14 : i64} {
  func.func @_adj_kernel(%arg0: i32, %arg1: memref<4096x512xf32, #tpu.memory_space<vmem>>, %arg2: memref<4096x512xf32, #tpu.memory_space<vmem>>, %arg3: memref<256x4096xf32, #tpu.memory_space<vmem>>, %arg4: memref<256x4096xf32, #tpu.memory_space<vmem>>) attributes {dimension_semantics = [#tpu.dimension_semantics<arbitrary>], iteration_bounds = array<i64: 16>, scalar_prefetch = 0 : i64, scratch_operands = 0 : i64, tpu.core_type = #tpu.core_type<tc>, window_params = [{pipeline_mode = #tpu.pipeline_mode<synchronous>, transform_indices = @transform_0, window_bounds = array<i64: 4096, 512>}, {pipeline_mode = #tpu.pipeline_mode<synchronous>, transform_indices = @transform_1, window_bounds = array<i64: 4096, 512>}, {transform_indices = @transform_2, window_bounds = array<i64: 256, 4096>}, {transform_indices = @transform_3, window_bounds = array<i64: 256, 4096>}]} {
    %mul3A = arith.constant 256 : i32
    %mul3A_0 = arith.muli %arg0, %mul3A : i32
    %get3A = arith.index_cast %mul3A_0 : i32 to index
    %get3A_1 = arith.constant 0 : index
    %get3A_2 = vector.load %arg1[%get3A, %get3A_1] : memref<4096x512xf32, #tpu.memory_space<vmem>>, vector<256x512xf32>
    %mul3A_3 = arith.constant 256 : i32
    %mul3A_4 = arith.muli %arg0, %mul3A_3 : i32
    %get3A_5 = arith.index_cast %mul3A_4 : i32 to index
    %get3A_6 = arith.constant 0 : index
    %get3A_7 = vector.load %arg2[%get3A_5, %get3A_6] : memref<4096x512xf32, #tpu.memory_space<vmem>>, vector<256x512xf32>
    %get3A_8 = arith.constant 0 : index
    %get3A_9 = arith.constant 0 : index
    %get3A_10 = vector.load %arg2[%get3A_8, %get3A_9] : memref<4096x512xf32, #tpu.memory_space<vmem>>, vector<4096x512xf32>
    %dot_general3A = arith.constant dense<0.000000e+00> : vector<256x4096xf32>
    %dot_general3A_11 = tpu.matmul %get3A_2, %get3A_10, %dot_general3A {dimension_numbers = #tpu.dot_dimension_numbers<[1], [1], [0], [0], [0, 0, 1, 0], [], []>, transpose_lhs_hint = false} : vector<256x512xf32>, vector<4096x512xf32>, vector<256x4096xf32> -> vector<256x4096xf32>
    %get3A_12 = arith.constant 0 : index
    %get3A_13 = arith.constant 0 : index
    %get3A_14 = vector.load %arg1[%get3A_12, %get3A_13] : memref<4096x512xf32, #tpu.memory_space<vmem>>, vector<4096x512xf32>
    %dot_general3A_15 = arith.constant dense<0.000000e+00> : vector<256x4096xf32>
    %dot_general3A_16 = tpu.matmul %get3A_7, %get3A_14, %dot_general3A_15 {dimension_numbers = #tpu.dot_dimension_numbers<[1], [1], [0], [0], [0, 0, 1, 0], [], []>, transpose_lhs_hint = false} : vector<256x512xf32>, vector<4096x512xf32>, vector<256x4096xf32> -> vector<256x4096xf32>
    %sub3A = arith.subf %dot_general3A_11, %dot_general3A_16 : vector<256x4096xf32>
    %mul3A_17 = arith.constant 3.000000e+00 : f32
    %mul3A_18 = vector.broadcast %mul3A_17 : f32 to vector<256x4096xf32>
    %mul3A_19 = arith.mulf %mul3A_18, %sub3A : vector<256x4096xf32>
    %tanh3A = math.tanh %mul3A_19 : vector<256x4096xf32>
    %max3A = arith.constant 0.000000e+00 : f32
    %max3A_20 = vector.broadcast %max3A : f32 to vector<256x4096xf32>
    %max3A_21 = arith.maximumf %tanh3A, %max3A_20 : vector<256x4096xf32>
    %get3A_22 = arith.constant 0 : index
    %get3A_23 = arith.constant 0 : index
    %get3A_24 = vector.load %arg3[%get3A_22, %get3A_23] : memref<256x4096xf32, #tpu.memory_space<vmem>>, vector<256x4096xf32>
    %mul3A_25 = arith.constant 0.00999999977 : f32
    %mul3A_26 = vector.broadcast %mul3A_25 : f32 to vector<256x4096xf32>
    %mul3A_27 = arith.mulf %get3A_24, %mul3A_26 : vector<256x4096xf32>
    %add3A = arith.addf %max3A_21, %mul3A_27 : vector<256x4096xf32>
    %bitcast_convert_type3A = tpu.bitcast %add3A : vector<256x4096xf32> -> vector<256x4096xi32>
    %broadcast_in_dim3A = arith.constant 0 : i32
    %broadcast_in_dim3A_28 = vector.broadcast %broadcast_in_dim3A : i32 to vector<256x1xi32>
    %scan3A = arith.constant 0 : i32
    %scan3A_29 = arith.constant 31 : i32
    %scan3A_30 = arith.addi %scan3A, %scan3A_29 : i32
    %scan3A_31 = arith.constant 1 : i32
    %scan3A_32 = scf.for %scan3A_53 = %scan3A to %scan3A_30 step %scan3A_31 iter_args(%scan3A_54 = %broadcast_in_dim3A_28) -> (vector<256x1xi32>)  : i32 {
      %sub3A_55 = arith.constant 30 : i32
      %sub3A_56 = arith.subi %sub3A_55, %scan3A_53 : i32
      %shift_left3A = arith.constant 1 : i32
      %shift_left3A_57 = arith.shli %shift_left3A, %sub3A_56 : i32
      %or3A_58 = vector.broadcast %shift_left3A_57 : i32 to vector<256x1xi32>
      %or3A_59 = arith.ori %scan3A_54, %or3A_58 : vector<256x1xi32>
      %ge3A = vector.broadcast %or3A_59 : vector<256x1xi32> to vector<256x4096xi32>
      %ge3A_60 = arith.cmpi sge, %bitcast_convert_type3A, %ge3A : vector<256x4096xi32>
      %convert_element_type3A_61 = arith.extui %ge3A_60 : vector<256x4096xi1> to vector<256x4096xi32>
      %reduce_sum3A_62 = arith.constant dense<0> : vector<256xi32>
      %reduce_sum3A_63 = vector.multi_reduction <add>, %convert_element_type3A_61, %reduce_sum3A_62 [1] : vector<256x4096xi32> to vector<256xi32>
      %broadcast_in_dim3A_64 = vector.shape_cast %reduce_sum3A_63 : vector<256xi32> to vector<256x1xi32>
      %ge3A_65 = arith.constant 64 : i32
      %ge3A_66 = vector.broadcast %ge3A_65 : i32 to vector<256x1xi32>
      %ge3A_67 = arith.cmpi sge, %broadcast_in_dim3A_64, %ge3A_66 : vector<256x1xi32>
      %select_n3A_68 = arith.select %ge3A_67, %or3A_59, %scan3A_54 : vector<256x1xi1>, vector<256x1xi32>
      scf.yield %select_n3A_68 : vector<256x1xi32>
    }
    %scan3A_33 = arith.constant 31 : i32
    %gt3A = vector.broadcast %scan3A_32 : vector<256x1xi32> to vector<256x4096xi32>
    %gt3A_34 = arith.cmpi sgt, %bitcast_convert_type3A, %gt3A : vector<256x4096xi32>
    %convert_element_type3A = arith.extui %gt3A_34 : vector<256x4096xi1> to vector<256x4096xi32>
    %reduce_sum3A = arith.constant dense<0> : vector<256xi32>
    %reduce_sum3A_35 = vector.multi_reduction <add>, %convert_element_type3A, %reduce_sum3A [1] : vector<256x4096xi32> to vector<256xi32>
    %broadcast_in_dim3A_36 = vector.shape_cast %reduce_sum3A_35 : vector<256xi32> to vector<256x1xi32>
    %sub3A_37 = arith.constant 64 : i32
    %sub3A_38 = vector.broadcast %sub3A_37 : i32 to vector<256x1xi32>
    %sub3A_39 = arith.subi %sub3A_38, %broadcast_in_dim3A_36 : vector<256x1xi32>
    %eq3A = vector.broadcast %scan3A_32 : vector<256x1xi32> to vector<256x4096xi32>
    %eq3A_40 = arith.cmpi eq, %bitcast_convert_type3A, %eq3A : vector<256x4096xi32>
    %iota3A = tpu.iota {dimensions = array<i32: 1>} : vector<256x4096xi32>
    %broadcast_in_dim3A_41 = arith.constant 0 : i32
    %broadcast_in_dim3A_42 = vector.broadcast %broadcast_in_dim3A_41 : i32 to vector<256x1xi32>
    %scan3A_43 = arith.constant 0 : i32
    %scan3A_44 = arith.constant 13 : i32
    %scan3A_45 = arith.addi %scan3A_43, %scan3A_44 : i32
    %scan3A_46 = arith.constant 1 : i32
    %scan3A_47 = scf.for %scan3A_53 = %scan3A_43 to %scan3A_45 step %scan3A_46 iter_args(%scan3A_54 = %broadcast_in_dim3A_42) -> (vector<256x1xi32>)  : i32 {
      %sub3A_55 = arith.constant 12 : i32
      %sub3A_56 = arith.subi %sub3A_55, %scan3A_53 : i32
      %shift_left3A = arith.constant 1 : i32
      %shift_left3A_57 = arith.shli %shift_left3A, %sub3A_56 : i32
      %or3A_58 = vector.broadcast %shift_left3A_57 : i32 to vector<256x1xi32>
      %or3A_59 = arith.ori %scan3A_54, %or3A_58 : vector<256x1xi32>
      %lt3A_60 = vector.broadcast %or3A_59 : vector<256x1xi32> to vector<256x4096xi32>
      %lt3A_61 = arith.cmpi slt, %iota3A, %lt3A_60 : vector<256x4096xi32>
      %and3A_62 = arith.andi %eq3A_40, %lt3A_61 : vector<256x4096xi1>
      %convert_element_type3A_63 = arith.extui %and3A_62 : vector<256x4096xi1> to vector<256x4096xi32>
      %reduce_sum3A_64 = arith.constant dense<0> : vector<256xi32>
      %reduce_sum3A_65 = vector.multi_reduction <add>, %convert_element_type3A_63, %reduce_sum3A_64 [1] : vector<256x4096xi32> to vector<256xi32>
      %broadcast_in_dim3A_66 = vector.shape_cast %reduce_sum3A_65 : vector<256xi32> to vector<256x1xi32>
      %le3A = arith.cmpi sle, %broadcast_in_dim3A_66, %sub3A_39 : vector<256x1xi32>
      %select_n3A_67 = arith.select %le3A, %or3A_59, %scan3A_54 : vector<256x1xi1>, vector<256x1xi32>
      scf.yield %select_n3A_67 : vector<256x1xi32>
    }
    %scan3A_48 = arith.constant 13 : i32
    %lt3A = vector.broadcast %scan3A_47 : vector<256x1xi32> to vector<256x4096xi32>
    %lt3A_49 = arith.cmpi slt, %iota3A, %lt3A : vector<256x4096xi32>
    %and3A = arith.andi %eq3A_40, %lt3A_49 : vector<256x4096xi1>
    %or3A = arith.ori %gt3A_34, %and3A : vector<256x4096xi1>
    %jit3A = arith.constant 0.000000e+00 : f32
    %broadcast_in_dim3A_50 = vector.broadcast %jit3A : f32 to vector<256x4096xf32>
    %select_n3A = arith.select %or3A, %max3A_21, %broadcast_in_dim3A_50 : vector<256x4096xi1>, vector<256x4096xf32>
    %swap3A = arith.constant 0 : index
    %swap3A_51 = arith.constant 0 : index
    %swap3A_52 = vector.load %arg4[%swap3A, %swap3A_51] : memref<256x4096xf32, #tpu.memory_space<vmem>>, vector<256x4096xf32>
    tpu.vector_store %arg4[%swap3A, %swap3A_51], %select_n3A {strides = array<i32>} : memref<256x4096xf32, #tpu.memory_space<vmem>>, vector<256x4096xf32>,
    return
  }
  func.func @transform_0(%arg0: i32) -> (i32, i32) {
    %c0_i32 = arith.constant 0 : i32
    %c0_i32_0 = arith.constant 0 : i32
    %c0_i32_1 = arith.constant 0 : i32
    return %c0_i32, %c0_i32_0 : i32, i32
  }
  func.func @transform_1(%arg0: i32) -> (i32, i32) {
    %c0_i32 = arith.constant 0 : i32
    %c0_i32_0 = arith.constant 0 : i32
    %c0_i32_1 = arith.constant 0 : i32
    return %c0_i32, %c0_i32_0 : i32, i32
  }
  func.func @transform_2(%arg0: i32) -> (i32, i32) {
    %c0_i32 = arith.constant 0 : i32
    %c0_i32_0 = arith.constant 0 : i32
    return %arg0, %c0_i32 : i32, i32
  }
  func.func @transform_3(%arg0: i32) -> (i32, i32) {
    %c0_i32 = arith.constant 0 : i32
    %c0_i32_0 = arith.constant 0 : i32
    return %arg0, %c0_i32 : i32, i32
  }
}

</mosaic_0001>

<sc_bundles>
// kernel: gather_offload_async_start.1
scs
__scs_entry_jumppad:
0x0: {  	(pc) =	sbr.rel $0x88, $3  }
0x1: {  	(tag) =	ssettag $0x0;
	lr =	simm.s32 $0x1  }
0x2: {  	[smem:$0x3F99] =	sst lr;
	_ =	strace $0xD0000000  }
0x3: {  	_ = 	snop  }
0x4: {  	_ = 	snop  }
0x5: {  	_ = 	snop  }
0x6: {  	_ = 	snop  }
0x7: {  	_ = 	snop  }
__scs_overlays_trampoline_lowered:
0x8: {  	[smem:$0x3FA8] =	sst s0  }
0x9: {  	[smem:$0x3FA9] =	sst s1  }
0xa: {  	[smem:$0x3FAA] =	sst s2  }
0xb: {  	[smem:$0x3FAB] =	sst s3  }
0xc: {  	[smem:$0x3FAC] =	sst s4  }
0xd: {  	[smem:$0x3FAD] =	sst s5  }
0xe: {  	[smem:$0x3FAE] =	sst s6  }
0xf: {  	[smem:$0x3FAF] =	sst s7  }
0x10: {  	[smem:$0x3FB0] =	sst s8  }
0x11: {  	[smem:$0x3FB1] =	sst s9;
	s0 =	simm.s32 @!p0 $0x0  }
0x12: {  	s1 =	sld [smem:$0x3F97];
	s0 =	simm.s32 @p0 $0x1  }
0x13: {  	[smem:$0x3FB2] =	sst s0;
	s0 =	simm.s32 @!p1 $0x0  }
0x14: {  	s2 =	sld [smem:$0x3F96];
	s0 =	simm.s32 @p1 $0x1  }
0x15: {  	[smem:$0x3FB3] =	sst s0;
	s0 =	simm.s32 @!p2 $0x0  }
0x16: {  	s3 =	sld [smem:$0x3FDB];
	s0 =	simm.s32 @p2 $0x1  }
0x17: {  	s4 =	simm.s32 $0x1BF5;
	[smem:$0x3FB5] =	sst s0  }
0x18: {  	s0 =	sld [smem:$0x3F98];
	_ =	swait.ge [sflag:s4], $0x0  }
0x19: {  	s7 =	sld [smem:$0x3F99]  }
0x1a: {  	s8 =	sadd.s32 $0xFFFFE003, lr  }
0x1b: {  	s9 =	sadd.s32 $0xFFFFFEF7, lr;
	s5 =	simm.s32 $0xFFFFFFFF;
	p2 =	slt.u32 s8, $0xFFFFF086  }
0x1c: {  	p1 =	slt.u32 s9, $0xF7A;
	s5 =	simm.s32 @!p2 $0x0  }
0x1d: {  	s5 =	simm.s32 @p1 $0x1;
	p0 =	seq.s32 s7, s2  }
0x1e: {  	s7 =	smul.u32 @!p0 $0xF7A, s2;
	p2 =	seq.s32 @!p0 s5, $0x0  }
0x1f: {  	s9 =	smul.u32 $0xF7A, s1;
	s8 =	simm.s32 @!p0 $0x1BF5;
	p2 =	por !p2, p0  }
0x20: {  	[sflag:s8] =	ssyncset.s32 @!p0 $0xFFFFF086;
	s6 =	sadd.s32 @!p0 s3, s7;
	s7 =	simm.s32 @!p0 $0x108  }
0x21: {  	s3 =	sadd.s32 s3, s9;
	s6 =	sadd.s32 @!p0 $0x88, s6;
	s7 =	simm.s32 @p2 $0x1082  }
0x22: {  	[simem:s7], [sflag:s8] =	dma.local @!p0 [hbm:s6], $0xF7A  }
0x23: {  	s9 =	sor.u32 $0xD0000000, s2;
	s6 =	simm.s32 $0x108;
	_ =	swait.ge @!p0 [sflag:s8], $0x0  }
0x24: {  	s3 =	sadd.s32 $0x88, s3;
	s6 =	simm.s32 @!p1 $0x1082;
	[sflag:s4] =	ssyncset.s32 $0xFFFFF086  }
0x25: {  	[simem:s6], [sflag:s4] =	dma.local [hbm:s3], $0xF7A  }
0x26: {  	[smem:$0x3F99] =	sst s1;
	(tag) =	ssettag s2;
	_ =	strace s9  }
0x27: {  	s1 =	sld [smem:$0x3FA9]  }
0x28: {  	s2 =	sld [smem:$0x3FAA]  }
0x29: {  	s4 =	sld [smem:$0x3FAC]  }
0x2a: {  	p0 =	seq.s32 s5, $0x0;
	s5 =	sld [smem:$0x3FAD]  }
0x2b: {  	s6 =	sld [smem:$0x3FAE]  }
0x2c: {  	s7 =	sld [smem:$0x3FAF]  }
0x2d: {  	s3 =	simm.s32 $0x108;
	s8 =	sld [smem:$0x3FB0]  }
0x2e: {  	s3 =	simm.s32 @!p0 $0x1082;
	s9 =	sld [smem:$0x3FB1]  }
0x2f: {  	lr =	sadd.s32 s0, s3;
	s0 =	sld [smem:$0x3FA8]  }
0x30: {  	s3 =	sld [smem:$0x3FAB]  }
0x31: {  	[smem:$0x3FB4] =	sst s10  }
0x32: {  	s10 =	sld [smem:$0x3FB2];
	_ =	sdelay $0x3  }
0x33: {  	p0 =	seq.s32 s10, $0x1;
	s10 =	sld [smem:$0x3FB4];
	_ =	sdelay $0x3  }
0x34: {  	[smem:$0x3FB4] =	sst s10  }
0x35: {  	s10 =	sld [smem:$0x3FB3];
	_ =	sdelay $0x3  }
0x36: {  	p1 =	seq.s32 s10, $0x1;
	s10 =	sld [smem:$0x3FB4];
	_ =	sdelay $0x3  }
0x37: {  	[smem:$0x3FB4] =	sst s10  }
0x38: {  	s10 =	sld [smem:$0x3FB5]  }
0x39: {  	_ = 	snop;
	(pc) =	sbr.ind lr, $3  }
0x3a: {  	_ = 	snop  }
0x3b: {  	_ = 	snop  }
0x3c: {  	p2 =	seq.s32 s10, $0x1;
	s10 =	sld [smem:$0x3FB4]  }
0x3d: {  	_ =	shalt  }
0x3e: {  	_ =	shalt  }
0x3f: {  	_ =	shalt  }
0x40: {  	_ =	shalt  }
0x41: {  	_ =	shalt  }
0x42: {  	_ =	shalt  }
0x43: {  	_ =	shalt  }
0x44: {  	_ =	shalt  }
0x45: {  	_ =	shalt  }
0x46: {  	_ =	shalt  }
0x47: {  	_ =	shalt  }
0x48: {  	_ =	shalt  }
0x49: {  	_ =	shalt  }
0x4a: {  	_ =	shalt  }
0x4b: {  	_ =	shalt  }
0x4c: {  	_ =	shalt  }
0x4d: {  	_ =	shalt  }
0x4e: {  	_ =	shalt  }
0x4f: {  	_ =	shalt  }
0x50: {  	_ =	shalt  }
0x51: {  	_ =	shalt  }
0x52: {  	_ =	shalt  }
0x53: {  	_ =	shalt  }
0x54: {  	_ =	shalt  }
0x55: {  	_ =	shalt  }
0x56: {  	_ =	shalt  }
0x57: {  	_ =	shalt  }
0x58: {  	_ =	shalt  }
0x59: {  	_ =	shalt  }
0x5a: {  	_ =	shalt  }
0x5b: {  	_ =	shalt  }
0x5c: {  	_ =	shalt  }
0x5d: {  	_ =	shalt  }
0x5e: {  	_ =	shalt  }
0x5f: {  	_ =	shalt  }
0x60: {  	_ =	shalt  }
0x61: {  	_ =	shalt  }
0x62: {  	_ =	shalt  }
0x63: {  	_ =	shalt  }
0x64: {  	_ =	shalt  }
0x65: {  	_ =	shalt  }
0x66: {  	_ =	shalt  }
0x67: {  	_ =	shalt  }
0x68: {  	_ =	shalt  }
0x69: {  	_ =	shalt  }
0x6a: {  	_ =	shalt  }
0x6b: {  	_ =	shalt  }
0x6c: {  	_ =	shalt  }
0x6d: {  	_ =	shalt  }
0x6e: {  	_ =	shalt  }
0x6f: {  	_ =	shalt  }
0x70: {  	_ =	shalt  }
0x71: {  	_ =	shalt  }
0x72: {  	_ =	shalt  }
0x73: {  	_ =	shalt  }
0x74: {  	_ =	shalt  }
0x75: {  	_ =	shalt  }
0x76: {  	_ =	shalt  }
0x77: {  	_ =	shalt  }
0x78: {  	_ =	shalt  }
0x79: {  	_ =	shalt  }
0x7a: {  	_ =	shalt  }
0x7b: {  	_ =	shalt  }
0x7c: {  	_ =	shalt  }
0x7d: {  	_ =	shalt  }
0x7e: {  	_ =	shalt  }
0x7f: {  	_ =	shalt  }
0x80: {  	_ =	shalt  }
0x81: {  	_ =	shalt  }
0x82: {  	_ =	shalt  }
0x83: {  	_ =	shalt  }
0x84: {  	_ =	shalt  }
0x85: {  	_ =	shalt  }
0x86: {  	_ =	shalt  }
0x87: {  	_ =	shalt  }
.Lfunc_end0:
.L_simem_size_0:
called_computation.1_lowered:
.L_overlay_start_0:
0x88: {  	s2 =	sld [smem:$0x3FD9]  }
0x89: {  	s3 =	sld [smem:$0x3FFE];
	_ =	sdelay $0x1  }
0x8a: {  	s1 =	srdreg.scid  }
0x8b: {  	s0 =	sand.u32 $0x1, s1  }
0x8c: {  	s17 =	sshll.u32 s0, $0xA;
	s2 =	sadd.s32 s3, s2  }
0x8d: {  	s2 =	sadd.s32 s2, s17  }
0x8e: {  	[smem:$0x3FC0] =	sst s2  }
0x8f: {  	_ = 	snop  }
0x90: {  	s2 =	sld [smem:$0x3FC6];
	(tm) =	ssettm $0x1  }
0x91: {  	s18 =	sld [smem:$0x3FFB];
	_ =	sdelay $0x3  }
0x92: {  	_ =	strace s18  }
0x93: {  	s3 =	sld [smem:$0x3FFC];
	_ =	sdelay $0x3  }
0x94: {  	_ =	strace s3  }
0x95: {  	s3 =	sld [smem:$0x3FFD];
	_ =	sdelay $0x3  }
0x96: {  	_ =	strace s3  }
0x97: {  	_ =	strace $0x8FFFFFFF  }
0x98: {  	s19 =	sld [smem:$0x3FDB];
	_ =	sdelay $0x1  }
0x99: {  	s4 =	simm.s32 $_scs_section_size  }
0x9a: {  	s5 =	simm.s32 $_size__tile_overlayer_lowered;
	s6 =	simm.s32 $_tile_overlayer_lowered  }
0x9b: {  	s22 =	simm.s32 $0x1BFF;
	s21 =	sshll.u32 s6, $0x1;
	s3 =	sadd.s32 s4, s19  }
0x9c: {  	s7 =	simm.s32 $0x0;
	s20 =	sshll.u32 s5, $0x1;
	s5 =	sadd.s32 s21, s3  }
0x9d: {  	[timem:s7], [sflag:s22] =	dma.local [hbm:s5], s20  }
0x9e: {  	_ =	swait.ge [sflag:s22], s20  }
0x9f: {  	s4 =	ssub.s32 $0x0, s20;
	[sflag:s22] =	ssyncset.done $0x0  }
0xa0: {  	[sflag:s22] =	ssyncadd.s32 s4;
	_ =	sdelay $0x1  }
0xa1: {  	s23 =	simm.s32 $0x1B8B  }
0xa2: {  	_ =	swait.ge [sflag:s23], $0x1  }
0xa3: {  	[sflag:s23] =	ssyncset.done $0x0  }
0xa4: {  	s25 =	simm.s32 $0x1B8E;
	s24 =	sld [smem:$0x3FFE];
	[sflag:s23] =	ssyncadd.s32 $0xFFFFFFFF  }
0xa5: {  	s26 =	simm.s32 $execute0_lowered;
	[smem:$0x3FD2] =	sst s25  }
0xa6: {  	s5 =	sshll.u32 s26, $0x1;
	_ =	strace $0x80000046;
	[dreg:$0x1] =	wrdreg $0xFFFFFFFF  }
0xa7: {  	s28 =	simm.s32 $_size_execute0_lowered;
	s3 =	sadd.s32 s3, s5;
	[dreg:$0x0] =	wrdreg $0x0  }
0xa8: {  	s5 =	sshll.u32 s28, $0x1;
	[dreg:$0x2] =	wrdreg s3  }
0xa9: {  	[dreg:$0x3] =	wrdreg s5  }
0xaa: {  	[dreg:$0x4] =	wrdreg $0xC0  }
0xab: {  	_ =	task [dreg:s7], $0x5FFFF  }
0xac: {  	[dreg:$0x1] =	wrdreg $0xFFFFFFFF  }
0xad: {  	[dreg:$0x0] =	wrdreg $0x60  }
0xae: {  	[dreg:$0x2] =	wrdreg s2  }
0xaf: {  	[dreg:$0x3] =	wrdreg s24  }
0xb0: {  	[dreg:$0x4] =	wrdreg $0xA  }
0xb1: {  	_ =	task.clear_ibuf [dreg:s7], $0x5FFFF;
	_ =	strace $0x90000046  }
0xb2: {  	s29 =	simm.s32 $0xA;
	_ =	strace $0x80000048  }
0xb3: {  	_ =	swait.ge [sflag:s29], $0x1  }
0xb4: {  	[sflag:s29] =	ssyncadd.s32 $0xFFFFFFFF  }
0xb5: {  	_ =	strace $0x90000048  }
0xb6: {  	_ =	sfence  }
0xb7: {  	s30 =	sld [smem:$0x0];
	_ =	sdelay $0x2  }
0xb8: {  	s31 =	sshll.u32 s1, $0xD;
	s1 =	sshrl.u32 s1, $0x2  }
0xb9: {  	s3 =	sand.u32 $0x4000, s31;
	s1 =	sadd.s32 s1, s30  }
0xba: {  	s0 =	sor.u32 s3, s0;
	s1 =	sshll.u32 s1, $0x11  }
0xbb: {  	s0 =	sor.u32 s1, s0  }
0xbc: {  	s0 =	sadd.s32 $0x8F2B, s0  }
0xbd: {  	[sflag:s0] =	ssyncadd.remote.s32 $0x1  }
0xbe: {  	_ =	sfence.sel $0xFFFF  }
0xbf: {  	[dreg:$0x0] =	wrdreg $0xFFFFFFFF;
	(pc) =	sbr.abs _section_cstart, $3  }
0xc0: {  	[dreg:$0x1] =	wrdreg $0xFFFFFFFF  }
0xc1: {  	_ =	task.clear_ibuf [dreg:s7], $0x2FFFF;
	_ =	strace $0x9FFFFFFF  }
0xc2: {  	(tm) =	ssettm $0x7FFFFFFF  }
0xc3: {  	_ =	shalt  }
tec
execute0_lowered:
.L_overlay_start_1:
0x0: {  	(tag) =	ssettag $0x1  }
0x1: {  	s2 =	rddreg [dreg:$0x0]  }
0x2: {  	s7 =	rddreg [dreg:$0x1]  }
0x3: {  	s0 =	rddreg [dreg:$0x2]  }
0x4: {  	s1 =	srdreg.scid;
	_ =	strace $0x80000047;
	s4 =	simm.s32 $0x1  }
0x5: {  	s9 =	simm.s32 $0x3;
	s11 =	simm.s32 $0x0;
	s5 =	sshll.u32 s1, $0x4  }
.Ltmp0:
0x6: {  	s1 =	stileid.u32;
	s5 =	sand.u32 $0x10, s5;
	(pc) =	sbr.rel .LBB2_1-.Ltmp0, $4  }
0x7: {  	p0 =	por $0x0, $0x0;
	s3 =	sadd.s32 $0x1600, s7;
	s6 =	sor.u32 s1, s5  }
0x8: {  	[sflag:s4] =	ssyncpa.u1 $0x0;
	s5 =	simm.s32 $0x2;
	s6 =	sshll.u32 s6, $0x7  }
0x9: {  	s7 =	sadd.s32 $0x1800, s7;
	[sflag:s5] =	ssyncpa.u1 $0x0;
	s8 =	sadd.s32 $0x80, s6  }
0xa: {  	vm0 =	vmmov $0xff;
	vm1 =	vcmask $0x3F20;
	[sflag:s9] =	ssyncpa.u1 $0x0;
	s10 =	smov.u32 s6;
	s9 =	simm.s32 $0x0  }
.LBB2_9:
0xb: {  	p1 =	slt.u32 s9, $0x2;
	s11 =	sadd.s32 $0x40, s10  }
0xc: {  	s13 =	smov.u32 s6;
	s9 =	sadd.s32 $0x1, s9;
	p2 =	slt.s32 s11, s8  }
0xd: {  	s13 =	smov.u32 @p2 s11;
	p2 =	sne.s32 s9, $0x4  }
.Ltmp1:
0xe: {  	_ = 	snop;
	(pc) =	sbr.rel @!p2 .LBB2_10-.Ltmp1, $4  }
0xf: {  	s12 =	simm.s32 @!p1 $0x3  }
0x10: {  	_ =	swait.ge @!p1 [sflag:s12], $0x8000  }
0x11: {  	p0 =	por !p0, !p0;
	[sflag:s12] =	ssyncset.done @!p1 $0x0  }
0x12: {  	s11 =	smov.u32 s10;
	s10 =	smov.u32 s13;
	[sflag:s12] =	ssyncadd.s32 @!p1 $0xFFFF8000  }
.LBB2_1:
0x13: {  	p1 =	sgt.u32 s9, $0x1  }
0x14: {  	s12 =	sshll.u32 @!p1 s9, $0x6;
	s13 =	sshrl.u32 @!p1 s10, $0x3  }
0x15: {  	s14 =	sand.u32 @!p1 $0x7, s10;
	s12 =	sxor.u32 @!p1 $0x40, s12;
	s13 =	sadd.s32 @!p1 s3, s13  }
0x16: {  	[tilespmem:s12], [sflag:$0x2] =	stream.linear.gather @!p1 [hbm4b:s13+s14], $0x40, $0x38;
	[tilespmem:$0x10080] =	vst v63  }
0x17: {  	p1 =	seq.s32 s9, $0x0  }
0x18: {  	p2 =	seq.s32 @!p1 s9, $0x3  }
0x19: {  	p1 =	por p1, p2  }
.Ltmp2:
0x1a: {  	_ = 	snop;
	(pc) =	sbr.rel @p1 .LBB2_9-.Ltmp2, $1  }
0x1b: {  	_ =	sdelay $0x3  }
0x1c: {  	s12 =	simm.s32 $0x1  }
0x1d: {  	s12 =	simm.s32 @!p0 $0x0  }
0x1e: {  	_ =	swait.ge [sflag:s5], $0x40;
	s13 =	sand.u32 $0x1, s9;
	s12 =	sshll.u32 s12, $0xF  }
0x1f: {  	s14 =	simm.s32 $0x0;
	[sflag:s5] =	ssyncset.done $0x0;
	s12 =	sor.u32 $0x80, s12  }
0x20: {  	s13 =	sshll.u32 s13, $0x6;
	[sflag:s5] =	ssyncadd.s32 $0xFFFFFFC0;
	s15 =	smov.u32 s12  }
.LBB2_3:
0x21: {  	s16 =	sshll.u32 s14, $0x4  }
0x22: {  	s16 =	sand.u32 $0x3FFFFFF0, s16  }
0x23: {  	s16 =	sadd.s32 s16, s13  }
0x24: {  	v0 =	vld.msk [tilespmem:s16+$0x0 ss:$0x1], $0xffff;
	_ =	sdelay $0x4  }
0x25: {  	vm2 =	vgt.s32 v0, $0x0  }
0x26: {  	v0 =	vnsel vm2, $0x0, v0  }
0x27: {  	v0 =	vmin.u32 v0, $0xFFF  }
0x28: {  	v1 =	vshll.u32 v0, $0x6;
	v0 =	vshll.u32 v0, $0x4  }
0x29: {  	v1 =	vand.u32 $0x3FE00, v1;
	v0 =	vand.u32 $0x70, v0  }
0x2a: {  	v0 =	vor.u32 v0, v1;
	_ =	sdelay $0x3  }
0x2b: {  	s17 =	sadd.s32 $0x0, s15  }
0x2c: {  	[tilespmem:s17], [sflag:$0x1] =	stream.indirect_vreg.gather [hbm:s2], $0x80, v0, vm0, $0x38;
	[tilespmem:$0x10080] =	vst v63  }
0x2d: {  	s16 =	simm.s32 $0x1000;
	v1 =	vadd.s32 $0x80, v0;
	s17 =	sadd.s32 $0x1000, s17  }
.LBB2_4:
0x2e: {  	[tilespmem:s17], [sflag:$0x1] =	stream.indirect_vreg.gather [hbm:s2], $0x80, v0, vm1, $0x38;
	[tilespmem:$0x10080] =	vst v63  }
0x2f: {  	v0 =	vmov v1;
	s17 =	smov.u32 s16;
	p1 =	sne.s32 s16, $0x3000  }
.Ltmp3:
0x30: {  	s16 =	sadd.s32 $0x1000, s16;
	(pc) =	sbr.rel @p1 .LBB2_4-.Ltmp3, $4  }
0x31: {  	s17 =	sshra.s32 s17, $0x2  }
0x32: {  	s17 =	sadd.s32 s17, s15  }
0x33: {  	[tilespmem:s17], [sflag:$0x1] =	stream.indirect_vreg.gather [hbm:s2], $0x80, v1, vm0, $0x38;
	[tilespmem:$0x10080] =	vst v63  }
0x34: {  	s17 =	sadd.s32 $0x1000, s17;
	v1 =	vadd.s32 $0x80, v1  }
0x35: {  	s14 =	sadd.s32 $0x1, s14  }
0x36: {  	p1 =	sne.s32 s14, $0x4  }
.Ltmp4:
0x37: {  	_ = 	snop;
	(pc) =	sbr.rel @p1 .LBB2_3-.Ltmp4, $3  }
0x38: {  	_ =	sdelay $0x1  }
0x39: {  	[tilespmem:s17], [sflag:$0x1] =	stream.indirect_vreg.gather [hbm:s2], $0x80, v0, vm1, $0x38;
	[tilespmem:$0x10080] =	vst v63  }
0x3a: {  	s15 =	sadd.s32 $0x2000, s15  }
0x3b: {  	s13 =	sshll.u32 s11, $0x6  }
0x3c: {  	s31 =	sshll.u32 s11, $0x4;
	s13 =	sand.u32 $0xFFFFFE00, s13  }
0x3d: {  	_ =	swait.ge [sflag:s4], $0x8000;
	s11 =	sand.u32 $0x70, s31;
	s13 =	sadd.s32 s13, s7  }
0x3e: {  	s14 =	sadd.s32 $0x1000, s12;
	[sflag:s4] =	ssyncset.done $0x0;
	s11 =	sadd.s32 s11, s13  }
0x3f: {  	[sflag:s4] =	ssyncadd.s32 $0xFFFF8000;
	s13 =	simm.s32 $0x200;
	s15 =	sadd.s32 $0x0, s11  }
.LBB2_7:
0x40: {  	[hbm:s15] =	stream.linear.scatter [tilespmem:s12], [sflag:$0x3], $0x1000, $0x38;
	[tilespmem:$0x10080] =	vst v63  }
0x41: {  	s15 =	smov.u32 s13;
	s12 =	smov.u32 s14;
	p1 =	sne.s32 s13, $0xE00  }
.Ltmp5:
0x42: {  	s13 =	sadd.s32 $0x200, s13;
	(pc) =	sbr.rel @p1 .LBB2_7-.Ltmp5, $2  }
0x43: {  	_ =	sdelay $0x2  }
0x44: {  	s14 =	sadd.s32 $0x1000, s14;
	s15 =	sadd.s32 s15, s11  }
.Ltmp6:
0x45: {  	(pc) =	sbr.rel .LBB2_9-.Ltmp6, $2  }
0x46: {  	_ =	sdelay $0x2  }
0x47: {  	[hbm:s15] =	stream.linear.scatter [tilespmem:s12], [sflag:$0x3], $0x1000, $0x38;
	[tilespmem:$0x10080] =	vst v63  }
.LBB2_10:
0x48: {  	_ =	sfence.sel $0x180000  }
0x49: {  	s2 =	simm.s32 $0x2;
	[bflag:$0x0] =	sbarrier.arrive $0xFFFF  }
0x4a: {  	s30 =	simm.s32 $0x3;
	[sflag:s2] =	ssyncpa.u1 $0x1  }
0x4b: {  	s31 =	simm.s32 $0x1;
	[sflag:s30] =	ssyncpa.u1 $0x1  }
0x4c: {  	[sflag:s31] =	ssyncpa.u1 $0x1  }
0x4d: {  	p0 =	sne.s32 s1, $0x0;
	_ =	strace $0x90000047  }
0x4e: {  	s0 =	sadd.s32 @!p0 $0x100000, s0;
	[bflag:$0x2] =	sbarrier.arrive $0xFFFF  }
0x4f: {  	[sflag:s0] =	ssyncadd.tile.s32 @!p0 $0x1;
	_ =	shalt  }
.Lfunc_end2:
_tile_overlayer_lowered:
.L_overlay_start_2:
0x50: {  	(tag) =	ssettag $0x2  }
0x51: {  	s0 =	rddreg [dreg:$0x0];
	s2 =	stileid.u32  }
0x52: {  	s1 =	rddreg [dreg:$0x1];
	p0 =	sne.s32 s2, $0x0  }
0x53: {  	s3 =	rddreg [dreg:$0x2];
	[bflag:$0x3] =	sbarrier.arrive $0xFFFF;
	s2 =	simm.s32 @!p0 $0x1C01  }
0x54: {  	[timem:s3], [sflag:s2] =	dma.local @!p0 [hbm:s0], s1  }
0x55: {  	s0 =	simm.s32 @!p0 $0x1  }
0x56: {  	_ =	swait.ge @!p0 [sflag:s0], s1  }
0x57: {  	s1 =	ssub.s32 @!p0 $0x0, s1;
	[sflag:s0] =	ssyncset.done @!p0 $0x0  }
0x58: {  	[sflag:s0] =	ssyncadd.s32 @!p0 s1  }
0x59: {  	[bflag:$0x3] =	sbarrier.arrive $0xFFFF  }
0x5a: {  	_ =	shalt  }

// kernel: gather_offload_async_start
scs
__scs_entry_jumppad:
0x0: {  	(pc) =	sbr.rel $0x88, $3  }
0x1: {  	(tag) =	ssettag $0x0;
	lr =	simm.s32 $0x1  }
0x2: {  	[smem:$0x3F99] =	sst lr;
	_ =	strace $0xD0000000  }
0x3: {  	_ = 	snop  }
0x4: {  	_ = 	snop  }
0x5: {  	_ = 	snop  }
0x6: {  	_ = 	snop  }
0x7: {  	_ = 	snop  }
__scs_overlays_trampoline_lowered:
0x8: {  	[smem:$0x3FA8] =	sst s0  }
0x9: {  	[smem:$0x3FA9] =	sst s1  }
0xa: {  	[smem:$0x3FAA] =	sst s2  }
0xb: {  	[smem:$0x3FAB] =	sst s3  }
0xc: {  	[smem:$0x3FAC] =	sst s4  }
0xd: {  	[smem:$0x3FAD] =	sst s5  }
0xe: {  	[smem:$0x3FAE] =	sst s6  }
0xf: {  	[smem:$0x3FAF] =	sst s7  }
0x10: {  	[smem:$0x3FB0] =	sst s8  }
0x11: {  	[smem:$0x3FB1] =	sst s9;
	s0 =	simm.s32 @!p0 $0x0  }
0x12: {  	s1 =	sld [smem:$0x3F97];
	s0 =	simm.s32 @p0 $0x1  }
0x13: {  	[smem:$0x3FB2] =	sst s0;
	s0 =	simm.s32 @!p1 $0x0  }
0x14: {  	s2 =	sld [smem:$0x3F96];
	s0 =	simm.s32 @p1 $0x1  }
0x15: {  	[smem:$0x3FB3] =	sst s0;
	s0 =	simm.s32 @!p2 $0x0  }
0x16: {  	s3 =	sld [smem:$0x3FDB];
	s0 =	simm.s32 @p2 $0x1  }
0x17: {  	s4 =	simm.s32 $0x1BF5;
	[smem:$0x3FB5] =	sst s0  }
0x18: {  	s0 =	sld [smem:$0x3F98];
	_ =	swait.ge [sflag:s4], $0x0  }
0x19: {  	s7 =	sld [smem:$0x3F99]  }
0x1a: {  	s8 =	sadd.s32 $0xFFFFE003, lr  }
0x1b: {  	s9 =	sadd.s32 $0xFFFFFEF7, lr;
	s5 =	simm.s32 $0xFFFFFFFF;
	p2 =	slt.u32 s8, $0xFFFFF086  }
0x1c: {  	p1 =	slt.u32 s9, $0xF7A;
	s5 =	simm.s32 @!p2 $0x0  }
0x1d: {  	s5 =	simm.s32 @p1 $0x1;
	p0 =	seq.s32 s7, s2  }
0x1e: {  	s7 =	smul.u32 @!p0 $0xF7A, s2;
	p2 =	seq.s32 @!p0 s5, $0x0  }
0x1f: {  	s9 =	smul.u32 $0xF7A, s1;
	s8 =	simm.s32 @!p0 $0x1BF5;
	p2 =	por !p2, p0  }
0x20: {  	[sflag:s8] =	ssyncset.s32 @!p0 $0xFFFFF086;
	s6 =	sadd.s32 @!p0 s3, s7;
	s7 =	simm.s32 @!p0 $0x108  }
0x21: {  	s3 =	sadd.s32 s3, s9;
	s6 =	sadd.s32 @!p0 $0x88, s6;
	s7 =	simm.s32 @p2 $0x1082  }
0x22: {  	[simem:s7], [sflag:s8] =	dma.local @!p0 [hbm:s6], $0xF7A  }
0x23: {  	s9 =	sor.u32 $0xD0000000, s2;
	s6 =	simm.s32 $0x108;
	_ =	swait.ge @!p0 [sflag:s8], $0x0  }
0x24: {  	s3 =	sadd.s32 $0x88, s3;
	s6 =	simm.s32 @!p1 $0x1082;
	[sflag:s4] =	ssyncset.s32 $0xFFFFF086  }
0x25: {  	[simem:s6], [sflag:s4] =	dma.local [hbm:s3], $0xF7A  }
0x26: {  	[smem:$0x3F99] =	sst s1;
	(tag) =	ssettag s2;
	_ =	strace s9  }
0x27: {  	s1 =	sld [smem:$0x3FA9]  }
0x28: {  	s2 =	sld [smem:$0x3FAA]  }
0x29: {  	s4 =	sld [smem:$0x3FAC]  }
0x2a: {  	p0 =	seq.s32 s5, $0x0;
	s5 =	sld [smem:$0x3FAD]  }
0x2b: {  	s6 =	sld [smem:$0x3FAE]  }
0x2c: {  	s7 =	sld [smem:$0x3FAF]  }
0x2d: {  	s3 =	simm.s32 $0x108;
	s8 =	sld [smem:$0x3FB0]  }
0x2e: {  	s3 =	simm.s32 @!p0 $0x1082;
	s9 =	sld [smem:$0x3FB1]  }
0x2f: {  	lr =	sadd.s32 s0, s3;
	s0 =	sld [smem:$0x3FA8]  }
0x30: {  	s3 =	sld [smem:$0x3FAB]  }
0x31: {  	[smem:$0x3FB4] =	sst s10  }
0x32: {  	s10 =	sld [smem:$0x3FB2];
	_ =	sdelay $0x3  }
0x33: {  	p0 =	seq.s32 s10, $0x1;
	s10 =	sld [smem:$0x3FB4];
	_ =	sdelay $0x3  }
0x34: {  	[smem:$0x3FB4] =	sst s10  }
0x35: {  	s10 =	sld [smem:$0x3FB3];
	_ =	sdelay $0x3  }
0x36: {  	p1 =	seq.s32 s10, $0x1;
	s10 =	sld [smem:$0x3FB4];
	_ =	sdelay $0x3  }
0x37: {  	[smem:$0x3FB4] =	sst s10  }
0x38: {  	s10 =	sld [smem:$0x3FB5]  }
0x39: {  	_ = 	snop;
	(pc) =	sbr.ind lr, $3  }
0x3a: {  	_ = 	snop  }
0x3b: {  	_ = 	snop  }
0x3c: {  	p2 =	seq.s32 s10, $0x1;
	s10 =	sld [smem:$0x3FB4]  }
0x3d: {  	_ =	shalt  }
0x3e: {  	_ =	shalt  }
0x3f: {  	_ =	shalt  }
0x40: {  	_ =	shalt  }
0x41: {  	_ =	shalt  }
0x42: {  	_ =	shalt  }
0x43: {  	_ =	shalt  }
0x44: {  	_ =	shalt  }
0x45: {  	_ =	shalt  }
0x46: {  	_ =	shalt  }
0x47: {  	_ =	shalt  }
0x48: {  	_ =	shalt  }
0x49: {  	_ =	shalt  }
0x4a: {  	_ =	shalt  }
0x4b: {  	_ =	shalt  }
0x4c: {  	_ =	shalt  }
0x4d: {  	_ =	shalt  }
0x4e: {  	_ =	shalt  }
0x4f: {  	_ =	shalt  }
0x50: {  	_ =	shalt  }
0x51: {  	_ =	shalt  }
0x52: {  	_ =	shalt  }
0x53: {  	_ =	shalt  }
0x54: {  	_ =	shalt  }
0x55: {  	_ =	shalt  }
0x56: {  	_ =	shalt  }
0x57: {  	_ =	shalt  }
0x58: {  	_ =	shalt  }
0x59: {  	_ =	shalt  }
0x5a: {  	_ =	shalt  }
0x5b: {  	_ =	shalt  }
0x5c: {  	_ =	shalt  }
0x5d: {  	_ =	shalt  }
0x5e: {  	_ =	shalt  }
0x5f: {  	_ =	shalt  }
0x60: {  	_ =	shalt  }
0x61: {  	_ =	shalt  }
0x62: {  	_ =	shalt  }
0x63: {  	_ =	shalt  }
0x64: {  	_ =	shalt  }
0x65: {  	_ =	shalt  }
0x66: {  	_ =	shalt  }
0x67: {  	_ =	shalt  }
0x68: {  	_ =	shalt  }
0x69: {  	_ =	shalt  }
0x6a: {  	_ =	shalt  }
0x6b: {  	_ =	shalt  }
0x6c: {  	_ =	shalt  }
0x6d: {  	_ =	shalt  }
0x6e: {  	_ =	shalt  }
0x6f: {  	_ =	shalt  }
0x70: {  	_ =	shalt  }
0x71: {  	_ =	shalt  }
0x72: {  	_ =	shalt  }
0x73: {  	_ =	shalt  }
0x74: {  	_ =	shalt  }
0x75: {  	_ =	shalt  }
0x76: {  	_ =	shalt  }
0x77: {  	_ =	shalt  }
0x78: {  	_ =	shalt  }
0x79: {  	_ =	shalt  }
0x7a: {  	_ =	shalt  }
0x7b: {  	_ =	shalt  }
0x7c: {  	_ =	shalt  }
0x7d: {  	_ =	shalt  }
0x7e: {  	_ =	shalt  }
0x7f: {  	_ =	shalt  }
0x80: {  	_ =	shalt  }
0x81: {  	_ =	shalt  }
0x82: {  	_ =	shalt  }
0x83: {  	_ =	shalt  }
0x84: {  	_ =	shalt  }
0x85: {  	_ =	shalt  }
0x86: {  	_ =	shalt  }
0x87: {  	_ =	shalt  }
.Lfunc_end0:
.L_simem_size_0:
called_computation_lowered:
.L_overlay_start_0:
0x88: {  	s2 =	sld [smem:$0x3FD9]  }
0x89: {  	s3 =	sld [smem:$0x3FFE];
	_ =	sdelay $0x1  }
0x8a: {  	s1 =	srdreg.scid  }
0x8b: {  	s0 =	sand.u32 $0x1, s1  }
0x8c: {  	s17 =	sshll.u32 s0, $0xA;
	s2 =	sadd.s32 s3, s2  }
0x8d: {  	s2 =	sadd.s32 s2, s17  }
0x8e: {  	[smem:$0x3FC0] =	sst s2  }
0x8f: {  	_ = 	snop  }
0x90: {  	s4 =	sld [smem:$0x3FC7]  }
0x91: {  	s18 =	sld [smem:$0x3FD0];
	(tm) =	ssettm $0x1  }
0x92: {  	s19 =	sld [smem:$0x3FFB];
	_ =	sdelay $0x3  }
0x93: {  	_ =	strace s19  }
0x94: {  	s2 =	sld [smem:$0x3FFC];
	_ =	sdelay $0x3  }
0x95: {  	_ =	strace s2  }
0x96: {  	s2 =	sld [smem:$0x3FFD];
	_ =	sdelay $0x3  }
0x97: {  	_ =	strace s2  }
0x98: {  	_ =	strace $0x8FFFFFFF  }
0x99: {  	s20 =	sld [smem:$0x3FDB];
	_ =	sdelay $0x1  }
0x9a: {  	s5 =	simm.s32 $_scs_section_size  }
0x9b: {  	s6 =	simm.s32 $_size__tile_overlayer_lowered;
	s7 =	simm.s32 $_tile_overlayer_lowered  }
0x9c: {  	s8 =	simm.s32 $0x1BFF;
	s21 =	sshll.u32 s7, $0x1;
	s5 =	sadd.s32 s5, s20  }
0x9d: {  	s22 =	simm.s32 $0x0;
	s6 =	sshll.u32 s6, $0x1;
	s7 =	sadd.s32 s21, s5  }
0x9e: {  	[timem:s22], [sflag:s8] =	dma.local [hbm:s7], s6  }
0x9f: {  	_ =	swait.ge [sflag:s8], s6  }
0xa0: {  	s6 =	ssub.s32 $0x0, s6;
	[sflag:s8] =	ssyncset.done $0x0  }
0xa1: {  	[sflag:s8] =	ssyncadd.s32 s6;
	_ =	sdelay $0x1  }
0xa2: {  	s23 =	simm.s32 $0x1B8B  }
0xa3: {  	_ =	swait.ge [sflag:s23], $0x1  }
0xa4: {  	[sflag:s23] =	ssyncset.done $0x0  }
0xa5: {  	[sflag:s23] =	ssyncadd.s32 $0xFFFFFFFF  }
0xa6: {  	s6 =	sld [smem:$0x0]  }
0xa7: {  	s7 =	sand.u32 $0xFFFFFFFE, s1  }
0xa8: {  	p0 =	sne.s32 s1, s7  }
0xa9: {  	s7 =	sshll.u32 @p0 s7, $0xE  }
0xaa: {  	s7 =	sadd.s32 @p0 $0x11B8D, s7;
	s8 =	sshll.u32 @p0 s6, $0x11  }
0xab: {  	s7 =	sor.u32 @p0 s8, s7  }
0xac: {  	[sflag:s7] =	ssyncadd.remote.s32 @p0 $0x1;
	_ =	sdelay $0x1  }
0xad: {  	s7 =	simm.s32 @p0 $0x1B8D  }
0xae: {  	_ =	swait.eq @p0 [sflag:s7], $0x1  }
0xaf: {  	[sflag:s7] =	ssyncadd.s32 @p0 $0xFFFFFFFF  }
0xb0: {  	s8 =	sshll.u32 @!p0 s1, $0xE  }
0xb1: {  	s8 =	sor.u32 @!p0 $0x4000, s8;
	s7 =	simm.s32 @!p0 $0x1B8D  }
0xb2: {  	s6 =	sshll.u32 @!p0 s6, $0x11;
	s8 =	sadd.s32 @!p0 $0x11B8D, s8;
	_ =	swait.eq @!p0 [sflag:s7], $0x1  }
0xb3: {  	s6 =	sor.u32 @!p0 s6, s8;
	[sflag:s7] =	ssyncadd.s32 @!p0 $0xFFFFFFFF  }
0xb4: {  	s25 =	simm.s32 $0x1B8E;
	s24 =	sld [smem:$0x3FFE];
	[sflag:s6] =	ssyncadd.remote.s32 @!p0 $0x1  }
0xb5: {  	s26 =	simm.s32 $execute0_lowered;
	[smem:$0x3FD2] =	sst s25  }
0xb6: {  	s7 =	sshll.u32 s26, $0x1;
	_ =	strace $0x80000049;
	[dreg:$0x1] =	wrdreg $0xFFFFFFFF  }
0xb7: {  	s28 =	simm.s32 $_size_execute0_lowered;
	s5 =	sadd.s32 s5, s7;
	[dreg:$0x0] =	wrdreg $0x0  }
0xb8: {  	s7 =	sshll.u32 s28, $0x1;
	[dreg:$0x2] =	wrdreg s5  }
0xb9: {  	[dreg:$0x3] =	wrdreg s7  }
0xba: {  	[dreg:$0x4] =	wrdreg $0xC0  }
0xbb: {  	_ =	task [dreg:s22], $0x5FFFF  }
0xbc: {  	[dreg:$0x1] =	wrdreg $0xFFFFFFFF  }
0xbd: {  	[dreg:$0x0] =	wrdreg $0x60  }
0xbe: {  	[dreg:$0x2] =	wrdreg s4  }
0xbf: {  	[dreg:$0x3] =	wrdreg s24  }
0xc0: {  	[dreg:$0x4] =	wrdreg s18  }
0xc1: {  	[dreg:$0x5] =	wrdreg $0x9  }
0xc2: {  	_ =	task.clear_ibuf [dreg:s22], $0x6FFFF;
	_ =	strace $0x90000049  }
0xc3: {  	s29 =	simm.s32 $0x9;
	_ =	strace $0x8000004B  }
0xc4: {  	_ =	swait.ge [sflag:s29], $0x1  }
0xc5: {  	[sflag:s29] =	ssyncadd.s32 $0xFFFFFFFF  }
0xc6: {  	_ =	strace $0x9000004B  }
0xc7: {  	_ =	sfence  }
0xc8: {  	s30 =	sld [smem:$0x0];
	_ =	sdelay $0x2  }
0xc9: {  	s31 =	sshll.u32 s1, $0xD;
	s1 =	sshrl.u32 s1, $0x2  }
0xca: {  	s4 =	sand.u32 $0x4000, s31;
	s1 =	sadd.s32 s1, s30  }
0xcb: {  	s0 =	sor.u32 s4, s0;
	s1 =	sshll.u32 s1, $0x11  }
0xcc: {  	s0 =	sor.u32 s1, s0  }
0xcd: {  	s0 =	sadd.s32 $0x8F2B, s0  }
0xce: {  	[sflag:s0] =	ssyncadd.remote.s32 $0x1  }
0xcf: {  	_ =	sfence.sel $0xFFFF  }
0xd0: {  	[dreg:$0x0] =	wrdreg $0xFFFFFFFF;
	(pc) =	sbr.abs _section_cstart, $3  }
0xd1: {  	[dreg:$0x1] =	wrdreg $0xFFFFFFFF  }
0xd2: {  	_ =	task.clear_ibuf [dreg:s22], $0x2FFFF;
	_ =	strace $0x9FFFFFFF  }
0xd3: {  	(tm) =	ssettm $0x7FFFFFFF  }
tec
execute0_lowered:
.L_overlay_start_1:
0x0: {  	(tag) =	ssettag $0x1  }
0x1: {  	s2 =	rddreg [dreg:$0x0]  }
0x2: {  	s7 =	rddreg [dreg:$0x1]  }
0x3: {  	s3 =	rddreg [dreg:$0x2]  }
0x4: {  	s0 =	rddreg [dreg:$0x3];
	s1 =	srdreg.scid;
	_ =	strace $0x8000004A  }
0x5: {  	s4 =	simm.s32 $0x1;
	s9 =	simm.s32 $0x3;
	s5 =	sshll.u32 s1, $0x4  }
.Ltmp0:
0x6: {  	s1 =	stileid.u32;
	s5 =	sand.u32 $0x10, s5;
	(pc) =	sbr.rel .LBB2_1-.Ltmp0, $4  }
0x7: {  	s11 =	simm.s32 $0x0;
	p0 =	por $0x0, $0x0;
	s6 =	sor.u32 s1, s5  }
0x8: {  	[sflag:s4] =	ssyncpa.u1 $0x0;
	s5 =	simm.s32 $0x2;
	s6 =	sshll.u32 s6, $0x7  }
0x9: {  	s7 =	sadd.s32 $0x1600, s7;
	[sflag:s5] =	ssyncpa.u1 $0x0;
	s8 =	sadd.s32 $0x80, s6  }
0xa: {  	vm0 =	vmmov $0xff;
	vm1 =	vcmask $0x3F20;
	[sflag:s9] =	ssyncpa.u1 $0x0;
	s10 =	smov.u32 s6;
	s9 =	simm.s32 $0x0  }
.LBB2_9:
0xb: {  	p1 =	slt.u32 s9, $0x2;
	s11 =	sadd.s32 $0x40, s10  }
0xc: {  	s13 =	smov.u32 s6;
	s9 =	sadd.s32 $0x1, s9;
	p2 =	slt.s32 s11, s8  }
0xd: {  	s13 =	smov.u32 @p2 s11;
	p2 =	sne.s32 s9, $0x4  }
.Ltmp1:
0xe: {  	_ = 	snop;
	(pc) =	sbr.rel @!p2 .LBB2_10-.Ltmp1, $4  }
0xf: {  	s12 =	simm.s32 @!p1 $0x3  }
0x10: {  	_ =	swait.ge @!p1 [sflag:s12], $0x8000  }
0x11: {  	p0 =	por !p0, !p0;
	[sflag:s12] =	ssyncset.done @!p1 $0x0  }
0x12: {  	s11 =	smov.u32 s10;
	s10 =	smov.u32 s13;
	[sflag:s12] =	ssyncadd.s32 @!p1 $0xFFFF8000  }
.LBB2_1:
0x13: {  	p1 =	sgt.u32 s9, $0x1  }
0x14: {  	s12 =	sshll.u32 @!p1 s9, $0x6;
	s13 =	sshrl.u32 @!p1 s10, $0x3  }
0x15: {  	s14 =	sand.u32 @!p1 $0x7, s10;
	s12 =	sxor.u32 @!p1 $0x40, s12;
	s13 =	sadd.s32 @!p1 s7, s13  }
0x16: {  	[tilespmem:s12], [sflag:$0x2] =	stream.linear.gather @!p1 [hbm4b:s13+s14], $0x40, $0x38;
	[tilespmem:$0x10080] =	vst v63  }
0x17: {  	p1 =	seq.s32 s9, $0x0  }
0x18: {  	p2 =	seq.s32 @!p1 s9, $0x3  }
0x19: {  	p1 =	por p1, p2  }
.Ltmp2:
0x1a: {  	_ = 	snop;
	(pc) =	sbr.rel @p1 .LBB2_9-.Ltmp2, $1  }
0x1b: {  	_ =	sdelay $0x3  }
0x1c: {  	s12 =	simm.s32 $0x1  }
0x1d: {  	s12 =	simm.s32 @!p0 $0x0  }
0x1e: {  	_ =	swait.ge [sflag:s5], $0x40;
	s13 =	sand.u32 $0x1, s9;
	s12 =	sshll.u32 s12, $0xF  }
0x1f: {  	s14 =	simm.s32 $0x0;
	[sflag:s5] =	ssyncset.done $0x0;
	s12 =	sor.u32 $0x80, s12  }
0x20: {  	s13 =	sshll.u32 s13, $0x6;
	[sflag:s5] =	ssyncadd.s32 $0xFFFFFFC0;
	s15 =	smov.u32 s12  }
.LBB2_3:
0x21: {  	s16 =	sshll.u32 s14, $0x4  }
0x22: {  	s16 =	sand.u32 $0x3FFFFFF0, s16  }
0x23: {  	s16 =	sadd.s32 s16, s13  }
0x24: {  	v0 =	vld.msk [tilespmem:s16+$0x0 ss:$0x1], $0xffff;
	_ =	sdelay $0x4  }
0x25: {  	vm2 =	vgt.s32 v0, $0x0  }
0x26: {  	v0 =	vnsel vm2, $0x0, v0  }
0x27: {  	v0 =	vmin.u32 v0, $0xFFF  }
0x28: {  	v1 =	vshll.u32 v0, $0x6;
	v0 =	vshll.u32 v0, $0x4  }
0x29: {  	v1 =	vand.u32 $0x3FE00, v1;
	v0 =	vand.u32 $0x70, v0  }
0x2a: {  	v0 =	vor.u32 v0, v1;
	_ =	sdelay $0x3  }
0x2b: {  	s17 =	sadd.s32 $0x0, s15  }
0x2c: {  	[tilespmem:s17], [sflag:$0x1] =	stream.indirect_vreg.gather [hbm:s2], $0x80, v0, vm0, $0x38;
	[tilespmem:$0x10080] =	vst v63  }
0x2d: {  	s16 =	simm.s32 $0x1000;
	v1 =	vadd.s32 $0x80, v0;
	s17 =	sadd.s32 $0x1000, s17  }
.LBB2_4:
0x2e: {  	[tilespmem:s17], [sflag:$0x1] =	stream.indirect_vreg.gather [hbm:s2], $0x80, v0, vm1, $0x38;
	[tilespmem:$0x10080] =	vst v63  }
0x2f: {  	v0 =	vmov v1;
	s17 =	smov.u32 s16;
	p1 =	sne.s32 s16, $0x3000  }
.Ltmp3:
0x30: {  	s16 =	sadd.s32 $0x1000, s16;
	(pc) =	sbr.rel @p1 .LBB2_4-.Ltmp3, $4  }
0x31: {  	s17 =	sshra.s32 s17, $0x2  }
0x32: {  	s17 =	sadd.s32 s17, s15  }
0x33: {  	[tilespmem:s17], [sflag:$0x1] =	stream.indirect_vreg.gather [hbm:s2], $0x80, v1, vm0, $0x38;
	[tilespmem:$0x10080] =	vst v63  }
0x34: {  	s17 =	sadd.s32 $0x1000, s17;
	v1 =	vadd.s32 $0x80, v1  }
0x35: {  	s14 =	sadd.s32 $0x1, s14  }
0x36: {  	p1 =	sne.s32 s14, $0x4  }
.Ltmp4:
0x37: {  	_ = 	snop;
	(pc) =	sbr.rel @p1 .LBB2_3-.Ltmp4, $3  }
0x38: {  	_ =	sdelay $0x1  }
0x39: {  	[tilespmem:s17], [sflag:$0x1] =	stream.indirect_vreg.gather [hbm:s2], $0x80, v0, vm1, $0x38;
	[tilespmem:$0x10080] =	vst v63  }
0x3a: {  	s15 =	sadd.s32 $0x2000, s15  }
0x3b: {  	s13 =	sshll.u32 s11, $0x6  }
0x3c: {  	s31 =	sshll.u32 s11, $0x4;
	s13 =	sand.u32 $0xFFFFFE00, s13  }
0x3d: {  	_ =	swait.ge [sflag:s4], $0x8000;
	s11 =	sand.u32 $0x70, s31;
	s13 =	sadd.s32 s13, s3  }
0x3e: {  	s14 =	sadd.s32 $0x1000, s12;
	[sflag:s4] =	ssyncset.done $0x0;
	s11 =	sadd.s32 s11, s13  }
0x3f: {  	[sflag:s4] =	ssyncadd.s32 $0xFFFF8000;
	s13 =	simm.s32 $0x200;
	s15 =	sadd.s32 $0x0, s11  }
.LBB2_7:
0x40: {  	[hbm:s15] =	stream.linear.scatter [tilespmem:s12], [sflag:$0x3], $0x1000, $0x38;
	[tilespmem:$0x10080] =	vst v63  }
0x41: {  	s15 =	smov.u32 s13;
	s12 =	smov.u32 s14;
	p1 =	sne.s32 s13, $0xE00  }
.Ltmp5:
0x42: {  	s13 =	sadd.s32 $0x200, s13;
	(pc) =	sbr.rel @p1 .LBB2_7-.Ltmp5, $2  }
0x43: {  	_ =	sdelay $0x2  }
0x44: {  	s14 =	sadd.s32 $0x1000, s14;
	s15 =	sadd.s32 s15, s11  }
.Ltmp6:
0x45: {  	(pc) =	sbr.rel .LBB2_9-.Ltmp6, $2  }
0x46: {  	_ =	sdelay $0x2  }
0x47: {  	[hbm:s15] =	stream.linear.scatter [tilespmem:s12], [sflag:$0x3], $0x1000, $0x38;
	[tilespmem:$0x10080] =	vst v63  }
.LBB2_10:
0x48: {  	_ =	sfence.sel $0x180000  }
0x49: {  	s2 =	simm.s32 $0x2;
	[bflag:$0x0] =	sbarrier.arrive $0xFFFF  }
0x4a: {  	s30 =	simm.s32 $0x3;
	[sflag:s2] =	ssyncpa.u1 $0x1  }
0x4b: {  	s31 =	simm.s32 $0x1;
	[sflag:s30] =	ssyncpa.u1 $0x1  }
0x4c: {  	[sflag:s31] =	ssyncpa.u1 $0x1  }
0x4d: {  	p0 =	sne.s32 s1, $0x0;
	_ =	strace $0x9000004A  }
0x4e: {  	s0 =	sadd.s32 @!p0 $0x100000, s0;
	[bflag:$0x2] =	sbarrier.arrive $0xFFFF  }
0x4f: {  	[sflag:s0] =	ssyncadd.tile.s32 @!p0 $0x1;
	_ =	shalt  }
.Lfunc_end2:
_tile_overlayer_lowered:
.L_overlay_start_2:
0x50: {  	(tag) =	ssettag $0x2  }
0x51: {  	s0 =	rddreg [dreg:$0x0];
	s2 =	stileid.u32  }
0x52: {  	s1 =	rddreg [dreg:$0x1];
	p0 =	sne.s32 s2, $0x0  }
0x53: {  	s3 =	rddreg [dreg:$0x2];
	[bflag:$0x3] =	sbarrier.arrive $0xFFFF;
	s2 =	simm.s32 @!p0 $0x1C01  }
0x54: {  	[timem:s3], [sflag:s2] =	dma.local @!p0 [hbm:s0], s1  }
0x55: {  	s0 =	simm.s32 @!p0 $0x1  }
0x56: {  	_ =	swait.ge @!p0 [sflag:s0], s1  }
0x57: {  	s1 =	ssub.s32 @!p0 $0x0, s1;
	[sflag:s0] =	ssyncset.done @!p0 $0x0  }
0x58: {  	[sflag:s0] =	ssyncadd.s32 @!p0 s1  }
0x59: {  	[bflag:$0x3] =	sbarrier.arrive $0xFFFF  }
0x5a: {  	_ =	shalt  }

</sc_bundles>
